<compile_context>
chip_gen: v7x
topology: tpu7x:2x2x1
jax: 0.10.2.dev20260603
libtpu: 0.0.44.dev20260713+nightly
codegen_flags: <defaults>
</compile_context>

<pallas_src>
import jax
import jax.numpy as jnp
from jax import lax
from jax.experimental import pallas as pl
from jax.experimental.pallas import tpu as pltpu
from jax.experimental.pallas import tpu_sc as plsc

K = 20000
NW = 32
CH = 2512
TAIL = K - 7 * CH


def _body(ti_hbm, tabt_hbm, out_hbm, ti_v, plane_v, out_v, sem):
    nc = 2
    wid = lax.axis_index("s") * nc + lax.axis_index("c")
    r = wid >> 2
    c = wid & 3
    base = r * CH
    plane_cp = pltpu.async_copy(tabt_hbm.at[c], plane_v, sem)
    pltpu.sync_copy(ti_hbm.at[0], ti_v)
    plane_cp.wait()

    def step(j):
        first = ti_v[pl.ds(base + j, 16)]
        idx2 = plsc.load_gather(ti_v, [first])
        out_v[pl.ds(j, 16)] = plsc.load_gather(plane_v, [idx2])

    @pl.when(r < 7)
    def _full():
        @plsc.parallel_loop(0, CH, step=16, unroll=8)
        def _(j):
            step(j)

        pltpu.sync_copy(out_v, out_hbm.at[c, pl.ds(base, CH)])

    @pl.when(r == 7)
    def _tail():
        @plsc.parallel_loop(0, TAIL, step=16, unroll=8)
        def _(j):
            step(j)

        pltpu.sync_copy(
            out_v.at[pl.ds(0, TAIL)], out_hbm.at[c, pl.ds(base, TAIL)]
        )


@jax.jit
def _run(ti, tabt):
    mesh = plsc.VectorSubcoreMesh(
        core_axis_name="c", subcore_axis_name="s", num_cores=2, num_subcores=16
    )
    f = pl.kernel(
        _body,
        out_type=jax.ShapeDtypeStruct((4, K), jnp.float32),
        mesh=mesh,
        scratch_types=[
            pltpu.VMEM((K,), jnp.int32),
            pltpu.VMEM((K,), jnp.float32),
            pltpu.VMEM((CH,), jnp.float32),
            pltpu.SemaphoreType.DMA,
        ],
        compiler_params=pltpu.CompilerParams(
            needs_layout_passes=False, use_tc_tiling_on_sc=False
        ),
    )
    return f(ti, tabt)


def kernel(batch_idx, topk_idx, box_regression):
    tabt = box_regression[0, :K, :].T
    out = _run(topk_idx.astype(jnp.int32), tabt)
    return out.T[None]

# --- scband reference (transcript-rebuilt; emitter-appended) ---
"""Pipeline reference for scband-sample-net-3762391351887 (READ-ONLY COPY).

The authoritative reference and input builder live on the scoring server;
editing this copy changes nothing except your own understanding.
"""

import jax, jax.numpy as jnp
import numpy as np

K = 20000
N_BOXES = 40800

def setup_inputs(seed: int = 0) -> dict:
    key = jax.random.key(seed)
    k1, k2, k3 = jax.random.split(key, 3)
    batch_idx = jax.random.randint(k1, (K,), 0, 2, dtype=jnp.int64) if jax.config.jax_enable_x64 else jax.random.randint(k1, (K,), 0, 2, dtype=jnp.int32)
    topk_idx = jax.random.randint(k2, (1, K), 0, K, dtype=jnp.int32)
    # The original torch module materializes box_regression internally via torch.randn;
    # we materialize it deterministically here as a module-level buffer/parameter.
    box_regression = jax.random.normal(k3, (1, N_BOXES, 4), dtype=jnp.float32)
    return {"batch_idx": batch_idx, "topk_idx": topk_idx, "box_regression": box_regression}

def reference(batch_idx, topk_idx, box_regression):
    # batch_idx = batch_idx.byte()  (cast only; value unused downstream)
    _ = batch_idx.astype(jnp.uint8)
    ti = topk_idx.astype(jnp.int32)
    # box_regression = torch.index_select(box_regression, 1, topk_idx[0])
    br = jnp.take(box_regression, ti[0], axis=1)
    # return torch.index_select(box_regression, 1, topk_idx[0])
    out = jnp.take(br, ti[0], axis=1)
    return out

if __name__ == "__main__":
    import jax
    _d = setup_inputs()
    print(jax.jit(kernel)(*tuple(_d.values())))

</pallas_src>

<mosaic_0001>
#map = affine_map<(d0, d1) -> (0, 0)>
module attributes {stable_mosaic.version = 14 : i64} {
  func.func @_body(%arg0: i32, %arg1: i32, %arg2: memref<1x20000xi32, #tpu.memory_space<hbm>>, %arg3: memref<4x20000xf32, #tpu.memory_space<hbm>>, %arg4: memref<4x20000xf32, #tpu.memory_space<hbm>>, %arg5: memref<20000xi32, #tpu.memory_space<vmem>>, %arg6: memref<20000xf32, #tpu.memory_space<vmem>>, %arg7: memref<2512xf32, #tpu.memory_space<vmem>>, %arg8: memref<!tpu.dma_semaphore, #tpu.memory_space<semaphore_mem>>) attributes {dimension_semantics = [#tpu.dimension_semantics<core_parallel>, #tpu.dimension_semantics<subcore_parallel>], iteration_bounds = array<i64: 2, 16>, scalar_prefetch = 0 : i64, scratch_operands = 4 : i64, tpu.core_type = #tpu.core_type<sc_vector_subcore>, window_params = [{transform_indices = #map}, {transform_indices = #map}, {transform_indices = #map}]} {
    %mul3A = arith.constant 2 : i32
    %mul3A_0 = arith.muli %arg1, %mul3A : i32
    %add3A = arith.addi %mul3A_0, %arg0 : i32
    %shift_right_arithmetic3A = arith.constant 2 : i32
    %shift_right_arithmetic3A_1 = arith.shrsi %add3A, %shift_right_arithmetic3A : i32
    %and3A = arith.constant 3 : i32
    %and3A_2 = arith.andi %add3A, %and3A : i32
    %mul3A_3 = arith.constant 2512 : i32
    %mul3A_4 = arith.muli %shift_right_arithmetic3A_1, %mul3A_3 : i32
    %dma_start3A = arith.constant 0 : i32
    %dma_start3A_5 = tpu.memref_slice %arg3[%and3A_2, %dma_start3A] : memref<4x20000xf32, #tpu.memory_space<hbm>> -> memref<1x20000xf32, #tpu.memory_space<hbm>>
    %dma_start3A_6 = tpu.memref_squeeze %dma_start3A_5 : memref<1x20000xf32, #tpu.memory_space<hbm>> -> memref<20000xf32, #tpu.memory_space<hbm>>
    %dma_start3A_7 = arith.constant 0 : i32
    %dma_start3A_8 = tpu.memref_slice %arg3[%and3A_2, %dma_start3A_7] : memref<4x20000xf32, #tpu.memory_space<hbm>> -> memref<1x20000xf32, #tpu.memory_space<hbm>>
    %dma_start3A_9 = tpu.memref_squeeze %dma_start3A_8 : memref<1x20000xf32, #tpu.memory_space<hbm>> -> memref<20000xf32, #tpu.memory_space<hbm>>
    tpu.enqueue_dma source(%dma_start3A_9 : memref<20000xf32, #tpu.memory_space<hbm>>) target(%arg6 : memref<20000xf32, #tpu.memory_space<vmem>>) target_semaphore(%arg8 : memref<!tpu.dma_semaphore, #tpu.memory_space<semaphore_mem>>)
    %run_scoped3A = arith.constant 0 : i32
    "tpu.region"() ({
      %run_scoped3A_21 = tpu.sem_alloc : memref<!tpu.dma_semaphore, #tpu.memory_space<semaphore_mem>>
      %dma_start3A_22 = arith.constant 0 : i32
      %dma_start3A_23 = tpu.memref_slice %arg2[%run_scoped3A, %dma_start3A_22] : memref<1x20000xi32, #tpu.memory_space<hbm>> -> memref<1x20000xi32, #tpu.memory_space<hbm>>
      %dma_start3A_24 = tpu.memref_squeeze %dma_start3A_23 : memref<1x20000xi32, #tpu.memory_space<hbm>> -> memref<20000xi32, #tpu.memory_space<hbm>>
      %dma_start3A_25 = arith.constant 0 : i32
      %dma_start3A_26 = tpu.memref_slice %arg2[%run_scoped3A, %dma_start3A_25] : memref<1x20000xi32, #tpu.memory_space<hbm>> -> memref<1x20000xi32, #tpu.memory_space<hbm>>
      %dma_start3A_27 = tpu.memref_squeeze %dma_start3A_26 : memref<1x20000xi32, #tpu.memory_space<hbm>> -> memref<20000xi32, #tpu.memory_space<hbm>>
      tpu.enqueue_dma source(%dma_start3A_27 : memref<20000xi32, #tpu.memory_space<hbm>>) target(%arg5 : memref<20000xi32, #tpu.memory_space<vmem>>) target_semaphore(%run_scoped3A_21 : memref<!tpu.dma_semaphore, #tpu.memory_space<semaphore_mem>>)
      %dma_wait3A_28 = arith.constant 0 : i32
      %dma_wait3A_29 = tpu.memref_slice %arg2[%run_scoped3A, %dma_wait3A_28] : memref<1x20000xi32, #tpu.memory_space<hbm>> -> memref<1x20000xi32, #tpu.memory_space<hbm>>
      %dma_wait3A_30 = tpu.memref_squeeze %dma_wait3A_29 : memref<1x20000xi32, #tpu.memory_space<hbm>> -> memref<20000xi32, #tpu.memory_space<hbm>>
      %dma_wait3A_31 = arith.constant 0 : i32
      %dma_wait3A_32 = tpu.memref_slice %arg2[%run_scoped3A, %dma_wait3A_31] : memref<1x20000xi32, #tpu.memory_space<hbm>> -> memref<1x20000xi32, #tpu.memory_space<hbm>>
      %dma_wait3A_33 = tpu.memref_squeeze %dma_wait3A_32 : memref<1x20000xi32, #tpu.memory_space<hbm>> -> memref<20000xi32, #tpu.memory_space<hbm>>
      tpu.wait_dma2 semaphore(%run_scoped3A_21 : memref<!tpu.dma_semaphore, #tpu.memory_space<semaphore_mem>>) src(%dma_wait3A_33 : memref<20000xi32, #tpu.memory_space<hbm>>) dst(%arg5 : memref<20000xi32, #tpu.memory_space<vmem>>)
      tpu.yield
    }) : () -> ()
    %dma_wait3A = arith.constant 0 : i32
    %dma_wait3A_10 = tpu.memref_slice %arg3[%and3A_2, %dma_wait3A] : memref<4x20000xf32, #tpu.memory_space<hbm>> -> memref<1x20000xf32, #tpu.memory_space<hbm>>
    %dma_wait3A_11 = tpu.memref_squeeze %dma_wait3A_10 : memref<1x20000xf32, #tpu.memory_space<hbm>> -> memref<20000xf32, #tpu.memory_space<hbm>>
    %dma_wait3A_12 = arith.constant 0 : i32
    %dma_wait3A_13 = tpu.memref_slice %arg3[%and3A_2, %dma_wait3A_12] : memref<4x20000xf32, #tpu.memory_space<hbm>> -> memref<1x20000xf32, #tpu.memory_space<hbm>>
    %dma_wait3A_14 = tpu.memref_squeeze %dma_wait3A_13 : memref<1x20000xf32, #tpu.memory_space<hbm>> -> memref<20000xf32, #tpu.memory_space<hbm>>
    tpu.wait_dma2 semaphore(%arg8 : memref<!tpu.dma_semaphore, #tpu.memory_space<semaphore_mem>>) src(%dma_wait3A_14 : memref<20000xf32, #tpu.memory_space<hbm>>) dst(%arg6 : memref<20000xf32, #tpu.memory_space<vmem>>)
    %lt3A = arith.constant 7 : i32
    %lt3A_15 = arith.cmpi slt, %shift_right_arithmetic3A_1, %lt3A : i32
    %convert_element_type3A = arith.extui %lt3A_15 : i1 to i32
    %cond3A = arith.constant 0 : i32
    %cond3A_16 = arith.cmpi ne, %convert_element_type3A, %cond3A : i32
    scf.if %cond3A_16 {
      %parallel_loop3A = arith.constant 0 : i32
      %parallel_loop3A_21 = arith.constant 2512 : i32
      %parallel_loop3A_22 = arith.constant 16 : i32
      scf.for %parallel_loop3A_23 = %parallel_loop3A to %parallel_loop3A_21 step %parallel_loop3A_22  : i32 {
        %parallel_loop3A_24 = arith.addi %mul3A_4, %parallel_loop3A_23 : i32
        %parallel_loop3A_25 = arith.index_cast %parallel_loop3A_24 : i32 to index
        %parallel_loop3A_26 = tpu.vector_load %arg5[%parallel_loop3A_25] {strides = array<i32>} : memref<20000xi32, #tpu.memory_space<vmem>>, vector<16xi32>,
        %parallel_loop3A_27 = tpu.vector_load_idx %arg5[%parallel_loop3A_26] : memref<20000xi32, #tpu.memory_space<vmem>>[vector<16xi32>], vector<16xi32>,
        %parallel_loop3A_28 = tpu.vector_load_idx %arg6[%parallel_loop3A_27] : memref<20000xf32, #tpu.memory_space<vmem>>[vector<16xi32>], vector<16xf32>,
        %parallel_loop3A_29 = arith.index_cast %parallel_loop3A_23 : i32 to index
        %parallel_loop3A_30 = tpu.vector_load %arg7[%parallel_loop3A_29] {strides = array<i32>} : memref<2512xf32, #tpu.memory_space<vmem>>, vector<16xf32>,
        tpu.vector_store %arg7[%parallel_loop3A_29], %parallel_loop3A_28 {strides = array<i32>} : memref<2512xf32, #tpu.memory_space<vmem>>, vector<16xf32>,
      } {sc.loop_unroll_factor = 8 : i64, sc.parallel_access}
      "tpu.region"() ({
        %run_scoped3A_23 = tpu.sem_alloc : memref<!tpu.dma_semaphore, #tpu.memory_space<semaphore_mem>>
        %dma_start3A_24 = tpu.memref_slice %arg4[%and3A_2, %mul3A_4] : memref<4x20000xf32, #tpu.memory_space<hbm>> -> memref<1x2512xf32, #tpu.memory_space<hbm>>
        %dma_start3A_25 = tpu.memref_squeeze %dma_start3A_24 : memref<1x2512xf32, #tpu.memory_space<hbm>> -> memref<2512xf32, #tpu.memory_space<hbm>>
        %dma_start3A_26 = tpu.memref_slice %arg4[%and3A_2, %mul3A_4] : memref<4x20000xf32, #tpu.memory_space<hbm>> -> memref<1x2512xf32, #tpu.memory_space<hbm>>
        %dma_start3A_27 = tpu.memref_squeeze %dma_start3A_26 : memref<1x2512xf32, #tpu.memory_space<hbm>> -> memref<2512xf32, #tpu.memory_space<hbm>>
        tpu.enqueue_dma source(%arg7 : memref<2512xf32, #tpu.memory_space<vmem>>) target(%dma_start3A_27 : memref<2512xf32, #tpu.memory_space<hbm>>) target_semaphore(%run_scoped3A_23 : memref<!tpu.dma_semaphore, #tpu.memory_space<semaphore_mem>>)
        %dma_wait3A_28 = tpu.memref_slice %arg4[%and3A_2, %mul3A_4] : memref<4x20000xf32, #tpu.memory_space<hbm>> -> memref<1x2512xf32, #tpu.memory_space<hbm>>
        %dma_wait3A_29 = tpu.memref_squeeze %dma_wait3A_28 : memref<1x2512xf32, #tpu.memory_space<hbm>> -> memref<2512xf32, #tpu.memory_space<hbm>>
        %dma_wait3A_30 = tpu.memref_slice %arg4[%and3A_2, %mul3A_4] : memref<4x20000xf32, #tpu.memory_space<hbm>> -> memref<1x2512xf32, #tpu.memory_space<hbm>>
        %dma_wait3A_31 = tpu.memref_squeeze %dma_wait3A_30 : memref<1x2512xf32, #tpu.memory_space<hbm>> -> memref<2512xf32, #tpu.memory_space<hbm>>
        tpu.wait_dma2 semaphore(%run_scoped3A_23 : memref<!tpu.dma_semaphore, #tpu.memory_space<semaphore_mem>>) src(%arg7 : memref<2512xf32, #tpu.memory_space<vmem>>) dst(%dma_wait3A_31 : memref<2512xf32, #tpu.memory_space<hbm>>)
        tpu.yield
      }) : () -> ()
    } else {
    }
    %eq3A = arith.constant 7 : i32
    %eq3A_17 = arith.cmpi eq, %shift_right_arithmetic3A_1, %eq3A : i32
    %convert_element_type3A_18 = arith.extui %eq3A_17 : i1 to i32
    %cond3A_19 = arith.constant 0 : i32
    %cond3A_20 = arith.cmpi ne, %convert_element_type3A_18, %cond3A_19 : i32
    scf.if %cond3A_20 {
      %parallel_loop3A = arith.constant 0 : i32
      %parallel_loop3A_21 = arith.constant 2416 : i32
      %parallel_loop3A_22 = arith.constant 16 : i32
      scf.for %parallel_loop3A_23 = %parallel_loop3A to %parallel_loop3A_21 step %parallel_loop3A_22  : i32 {
        %parallel_loop3A_24 = arith.addi %mul3A_4, %parallel_loop3A_23 : i32
        %parallel_loop3A_25 = arith.index_cast %parallel_loop3A_24 : i32 to index
        %parallel_loop3A_26 = tpu.vector_load %arg5[%parallel_loop3A_25] {strides = array<i32>} : memref<20000xi32, #tpu.memory_space<vmem>>, vector<16xi32>,
        %parallel_loop3A_27 = tpu.vector_load_idx %arg5[%parallel_loop3A_26] : memref<20000xi32, #tpu.memory_space<vmem>>[vector<16xi32>], vector<16xi32>,
        %parallel_loop3A_28 = tpu.vector_load_idx %arg6[%parallel_loop3A_27] : memref<20000xf32, #tpu.memory_space<vmem>>[vector<16xi32>], vector<16xf32>,
        %parallel_loop3A_29 = arith.index_cast %parallel_loop3A_23 : i32 to index
        %parallel_loop3A_30 = tpu.vector_load %arg7[%parallel_loop3A_29] {strides = array<i32>} : memref<2512xf32, #tpu.memory_space<vmem>>, vector<16xf32>,
        tpu.vector_store %arg7[%parallel_loop3A_29], %parallel_loop3A_28 {strides = array<i32>} : memref<2512xf32, #tpu.memory_space<vmem>>, vector<16xf32>,
      } {sc.loop_unroll_factor = 8 : i64, sc.parallel_access}
      "tpu.region"() ({
        %run_scoped3A_23 = tpu.sem_alloc : memref<!tpu.dma_semaphore, #tpu.memory_space<semaphore_mem>>
        %dma_start3A_24 = arith.constant 0 : i32
        %dma_start3A_25 = tpu.memref_slice %arg7[%dma_start3A_24] : memref<2512xf32, #tpu.memory_space<vmem>> -> memref<2416xf32, #tpu.memory_space<vmem>>
        %dma_start3A_26 = tpu.memref_slice %arg4[%and3A_2, %mul3A_4] : memref<4x20000xf32, #tpu.memory_space<hbm>> -> memref<1x2416xf32, #tpu.memory_space<hbm>>
        %dma_start3A_27 = tpu.memref_squeeze %dma_start3A_26 : memref<1x2416xf32, #tpu.memory_space<hbm>> -> memref<2416xf32, #tpu.memory_space<hbm>>
        %dma_start3A_28 = tpu.memref_slice %arg4[%and3A_2, %mul3A_4] : memref<4x20000xf32, #tpu.memory_space<hbm>> -> memref<1x2416xf32, #tpu.memory_space<hbm>>
        %dma_start3A_29 = tpu.memref_squeeze %dma_start3A_28 : memref<1x2416xf32, #tpu.memory_space<hbm>> -> memref<2416xf32, #tpu.memory_space<hbm>>
        %dma_start3A_30 = arith.constant 0 : i32
        %dma_start3A_31 = tpu.memref_slice %arg7[%dma_start3A_30] : memref<2512xf32, #tpu.memory_space<vmem>> -> memref<2416xf32, #tpu.memory_space<vmem>>
        tpu.enqueue_dma source(%dma_start3A_31 : memref<2416xf32, #tpu.memory_space<vmem>>) target(%dma_start3A_29 : memref<2416xf32, #tpu.memory_space<hbm>>) target_semaphore(%run_scoped3A_23 : memref<!tpu.dma_semaphore, #tpu.memory_space<semaphore_mem>>)
        %dma_wait3A_32 = arith.constant 0 : i32
        %dma_wait3A_33 = tpu.memref_slice %arg7[%dma_wait3A_32] : memref<2512xf32, #tpu.memory_space<vmem>> -> memref<2416xf32, #tpu.memory_space<vmem>>
        %dma_wait3A_34 = tpu.memref_slice %arg4[%and3A_2, %mul3A_4] : memref<4x20000xf32, #tpu.memory_space<hbm>> -> memref<1x2416xf32, #tpu.memory_space<hbm>>
        %dma_wait3A_35 = tpu.memref_squeeze %dma_wait3A_34 : memref<1x2416xf32, #tpu.memory_space<hbm>> -> memref<2416xf32, #tpu.memory_space<hbm>>
        %dma_wait3A_36 = tpu.memref_slice %arg4[%and3A_2, %mul3A_4] : memref<4x20000xf32, #tpu.memory_space<hbm>> -> memref<1x2416xf32, #tpu.memory_space<hbm>>
        %dma_wait3A_37 = tpu.memref_squeeze %dma_wait3A_36 : memref<1x2416xf32, #tpu.memory_space<hbm>> -> memref<2416xf32, #tpu.memory_space<hbm>>
        %dma_wait3A_38 = arith.constant 0 : i32
        %dma_wait3A_39 = tpu.memref_slice %arg7[%dma_wait3A_38] : memref<2512xf32, #tpu.memory_space<vmem>> -> memref<2416xf32, #tpu.memory_space<vmem>>
        tpu.wait_dma2 semaphore(%run_scoped3A_23 : memref<!tpu.dma_semaphore, #tpu.memory_space<semaphore_mem>>) src(%dma_wait3A_39 : memref<2416xf32, #tpu.memory_space<vmem>>) dst(%dma_wait3A_37 : memref<2416xf32, #tpu.memory_space<hbm>>)
        tpu.yield
      }) : () -> ()
    } else {
    }
    return
  }
}

</mosaic_0001>

<sc_bundles>
// kernel: _run.3.cloned.1.call-start
scs
__scs_entry_jumppad:
0x0: {  	(pc) =	sbr.rel $0x88, $3  }
0x1: {  	(tag) =	ssettag $0x0;
	lr =	simm.s32 $0x1  }
0x2: {  	[smem:$0x3F9F] =	sst lr;
	_ =	strace $0xD0000000  }
0x3: {  	_ = 	snop  }
0x4: {  	_ = 	snop  }
0x5: {  	_ = 	snop  }
0x6: {  	_ = 	snop  }
0x7: {  	_ = 	snop  }
__scs_overlays_trampoline_lowered:
0x8: {  	[smem:$0x3FAE] =	sst s0  }
0x9: {  	[smem:$0x3FAF] =	sst s1  }
0xa: {  	[smem:$0x3FB0] =	sst s2  }
0xb: {  	[smem:$0x3FB1] =	sst s3  }
0xc: {  	[smem:$0x3FB2] =	sst s4  }
0xd: {  	[smem:$0x3FB3] =	sst s5  }
0xe: {  	[smem:$0x3FB4] =	sst s6  }
0xf: {  	[smem:$0x3FB5] =	sst s7  }
0x10: {  	[smem:$0x3FB6] =	sst s8  }
0x11: {  	[smem:$0x3FB7] =	sst s9;
	s0 =	simm.s32 @!p0 $0x0  }
0x12: {  	s1 =	sld [smem:$0x3F9D];
	s0 =	simm.s32 @p0 $0x1  }
0x13: {  	[smem:$0x3FB8] =	sst s0;
	s0 =	simm.s32 @!p1 $0x0  }
0x14: {  	s2 =	sld [smem:$0x3F9C];
	s0 =	simm.s32 @p1 $0x1  }
0x15: {  	[smem:$0x3FB9] =	sst s0;
	s0 =	simm.s32 @!p2 $0x0  }
0x16: {  	s3 =	sld [smem:$0x3FDB];
	s0 =	simm.s32 @p2 $0x1  }
0x17: {  	s4 =	simm.s32 $0x1BF5;
	[smem:$0x3FBB] =	sst s0  }
0x18: {  	s0 =	sld [smem:$0x3F9E];
	_ =	swait.ge [sflag:s4], $0x0  }
0x19: {  	s7 =	sld [smem:$0x3F9F]  }
0x1a: {  	s8 =	sadd.s32 $0xFFFFE003, lr  }
0x1b: {  	s9 =	sadd.s32 $0xFFFFFEF7, lr;
	s5 =	simm.s32 $0xFFFFFFFF;
	p2 =	slt.u32 s8, $0xFFFFF086  }
0x1c: {  	p1 =	slt.u32 s9, $0xF7A;
	s5 =	simm.s32 @!p2 $0x0  }
0x1d: {  	s5 =	simm.s32 @p1 $0x1;
	p0 =	seq.s32 s7, s2  }
0x1e: {  	s7 =	smul.u32 @!p0 $0xF7A, s2;
	p2 =	seq.s32 @!p0 s5, $0x0  }
0x1f: {  	s9 =	smul.u32 $0xF7A, s1;
	s8 =	simm.s32 @!p0 $0x1BF5;
	p2 =	por !p2, p0  }
0x20: {  	[sflag:s8] =	ssyncset.s32 @!p0 $0xFFFFF086;
	s6 =	sadd.s32 @!p0 s3, s7;
	s7 =	simm.s32 @!p0 $0x108  }
0x21: {  	s3 =	sadd.s32 s3, s9;
	s6 =	sadd.s32 @!p0 $0x88, s6;
	s7 =	simm.s32 @p2 $0x1082  }
0x22: {  	[simem:s7], [sflag:s8] =	dma.local @!p0 [hbm:s6], $0xF7A  }
0x23: {  	s9 =	sor.u32 $0xD0000000, s2;
	s6 =	simm.s32 $0x108;
	_ =	swait.ge @!p0 [sflag:s8], $0x0  }
0x24: {  	s3 =	sadd.s32 $0x88, s3;
	s6 =	simm.s32 @!p1 $0x1082;
	[sflag:s4] =	ssyncset.s32 $0xFFFFF086  }
0x25: {  	[simem:s6], [sflag:s4] =	dma.local [hbm:s3], $0xF7A  }
0x26: {  	[smem:$0x3F9F] =	sst s1;
	(tag) =	ssettag s2;
	_ =	strace s9  }
0x27: {  	s1 =	sld [smem:$0x3FAF]  }
0x28: {  	s2 =	sld [smem:$0x3FB0]  }
0x29: {  	s4 =	sld [smem:$0x3FB2]  }
0x2a: {  	p0 =	seq.s32 s5, $0x0;
	s5 =	sld [smem:$0x3FB3]  }
0x2b: {  	s6 =	sld [smem:$0x3FB4]  }
0x2c: {  	s7 =	sld [smem:$0x3FB5]  }
0x2d: {  	s3 =	simm.s32 $0x108;
	s8 =	sld [smem:$0x3FB6]  }
0x2e: {  	s3 =	simm.s32 @!p0 $0x1082;
	s9 =	sld [smem:$0x3FB7]  }
0x2f: {  	lr =	sadd.s32 s0, s3;
	s0 =	sld [smem:$0x3FAE]  }
0x30: {  	s3 =	sld [smem:$0x3FB1]  }
0x31: {  	[smem:$0x3FBA] =	sst s10  }
0x32: {  	s10 =	sld [smem:$0x3FB8];
	_ =	sdelay $0x3  }
0x33: {  	p0 =	seq.s32 s10, $0x1;
	s10 =	sld [smem:$0x3FBA];
	_ =	sdelay $0x3  }
0x34: {  	[smem:$0x3FBA] =	sst s10  }
0x35: {  	s10 =	sld [smem:$0x3FB9];
	_ =	sdelay $0x3  }
0x36: {  	p1 =	seq.s32 s10, $0x1;
	s10 =	sld [smem:$0x3FBA];
	_ =	sdelay $0x3  }
0x37: {  	[smem:$0x3FBA] =	sst s10  }
0x38: {  	s10 =	sld [smem:$0x3FBB]  }
0x39: {  	_ = 	snop;
	(pc) =	sbr.ind lr, $3  }
0x3a: {  	_ = 	snop  }
0x3b: {  	_ = 	snop  }
0x3c: {  	p2 =	seq.s32 s10, $0x1;
	s10 =	sld [smem:$0x3FBA]  }
0x3d: {  	_ =	shalt  }
0x3e: {  	_ =	shalt  }
0x3f: {  	_ =	shalt  }
0x40: {  	_ =	shalt  }
0x41: {  	_ =	shalt  }
0x42: {  	_ =	shalt  }
0x43: {  	_ =	shalt  }
0x44: {  	_ =	shalt  }
0x45: {  	_ =	shalt  }
0x46: {  	_ =	shalt  }
0x47: {  	_ =	shalt  }
0x48: {  	_ =	shalt  }
0x49: {  	_ =	shalt  }
0x4a: {  	_ =	shalt  }
0x4b: {  	_ =	shalt  }
0x4c: {  	_ =	shalt  }
0x4d: {  	_ =	shalt  }
0x4e: {  	_ =	shalt  }
0x4f: {  	_ =	shalt  }
0x50: {  	_ =	shalt  }
0x51: {  	_ =	shalt  }
0x52: {  	_ =	shalt  }
0x53: {  	_ =	shalt  }
0x54: {  	_ =	shalt  }
0x55: {  	_ =	shalt  }
0x56: {  	_ =	shalt  }
0x57: {  	_ =	shalt  }
0x58: {  	_ =	shalt  }
0x59: {  	_ =	shalt  }
0x5a: {  	_ =	shalt  }
0x5b: {  	_ =	shalt  }
0x5c: {  	_ =	shalt  }
0x5d: {  	_ =	shalt  }
0x5e: {  	_ =	shalt  }
0x5f: {  	_ =	shalt  }
0x60: {  	_ =	shalt  }
0x61: {  	_ =	shalt  }
0x62: {  	_ =	shalt  }
0x63: {  	_ =	shalt  }
0x64: {  	_ =	shalt  }
0x65: {  	_ =	shalt  }
0x66: {  	_ =	shalt  }
0x67: {  	_ =	shalt  }
0x68: {  	_ =	shalt  }
0x69: {  	_ =	shalt  }
0x6a: {  	_ =	shalt  }
0x6b: {  	_ =	shalt  }
0x6c: {  	_ =	shalt  }
0x6d: {  	_ =	shalt  }
0x6e: {  	_ =	shalt  }
0x6f: {  	_ =	shalt  }
0x70: {  	_ =	shalt  }
0x71: {  	_ =	shalt  }
0x72: {  	_ =	shalt  }
0x73: {  	_ =	shalt  }
0x74: {  	_ =	shalt  }
0x75: {  	_ =	shalt  }
0x76: {  	_ =	shalt  }
0x77: {  	_ =	shalt  }
0x78: {  	_ =	shalt  }
0x79: {  	_ =	shalt  }
0x7a: {  	_ =	shalt  }
0x7b: {  	_ =	shalt  }
0x7c: {  	_ =	shalt  }
0x7d: {  	_ =	shalt  }
0x7e: {  	_ =	shalt  }
0x7f: {  	_ =	shalt  }
0x80: {  	_ =	shalt  }
0x81: {  	_ =	shalt  }
0x82: {  	_ =	shalt  }
0x83: {  	_ =	shalt  }
0x84: {  	_ =	shalt  }
0x85: {  	_ =	shalt  }
0x86: {  	_ =	shalt  }
0x87: {  	_ =	shalt  }
.Lfunc_end0:
.L_simem_size_0:
called_computation_lowered:
.L_overlay_start_0:
0x88: {  	s2 =	sld [smem:$0x3FD9]  }
0x89: {  	s3 =	sld [smem:$0x3FFE];
	_ =	sdelay $0x1  }
0x8a: {  	s1 =	srdreg.scid  }
0x8b: {  	s0 =	sand.u32 $0x1, s1  }
0x8c: {  	s17 =	sshll.u32 s0, $0xA;
	s2 =	sadd.s32 s3, s2  }
0x8d: {  	s2 =	sadd.s32 s2, s17  }
0x8e: {  	[smem:$0x3FC6] =	sst s2  }
0x8f: {  	_ = 	snop  }
0x90: {  	s2 =	sld [smem:$0x3FD0];
	(tm) =	ssettm $0x1  }
0x91: {  	s18 =	sld [smem:$0x3FFB];
	_ =	sdelay $0x3  }
0x92: {  	_ =	strace s18  }
0x93: {  	s3 =	sld [smem:$0x3FFC];
	_ =	sdelay $0x3  }
0x94: {  	_ =	strace s3  }
0x95: {  	s3 =	sld [smem:$0x3FFD];
	_ =	sdelay $0x3  }
0x96: {  	_ =	strace s3  }
0x97: {  	_ =	strace $0x8FFFFFFF  }
0x98: {  	s19 =	sld [smem:$0x3FDB];
	_ =	sdelay $0x1  }
0x99: {  	s4 =	simm.s32 $_scs_section_size  }
0x9a: {  	s5 =	simm.s32 $_size__tile_overlayer_lowered;
	s6 =	simm.s32 $_tile_overlayer_lowered  }
0x9b: {  	s22 =	simm.s32 $0x1BFF;
	s21 =	sshll.u32 s6, $0x1;
	s3 =	sadd.s32 s4, s19  }
0x9c: {  	s7 =	simm.s32 $0x0;
	s20 =	sshll.u32 s5, $0x1;
	s5 =	sadd.s32 s21, s3  }
0x9d: {  	[timem:s7], [sflag:s22] =	dma.local [hbm:s5], s20  }
0x9e: {  	_ =	swait.ge [sflag:s22], s20  }
0x9f: {  	s4 =	ssub.s32 $0x0, s20;
	[sflag:s22] =	ssyncset.done $0x0  }
0xa0: {  	[sflag:s22] =	ssyncadd.s32 s4;
	_ =	sdelay $0x1  }
0xa1: {  	s23 =	simm.s32 $0x1B8B  }
0xa2: {  	_ =	swait.ge [sflag:s23], $0x1  }
0xa3: {  	[sflag:s23] =	ssyncset.done $0x0  }
0xa4: {  	s25 =	simm.s32 $0x1B8E;
	s24 =	sld [smem:$0x3FFE];
	[sflag:s23] =	ssyncadd.s32 $0xFFFFFFFF  }
0xa5: {  	s26 =	simm.s32 $execute0_lowered;
	[smem:$0x3FD2] =	sst s25  }
0xa6: {  	s5 =	sshll.u32 s26, $0x1;
	_ =	strace $0x80000046;
	[dreg:$0x1] =	wrdreg $0xFFFFFFFF  }
0xa7: {  	s28 =	simm.s32 $_size_execute0_lowered;
	s3 =	sadd.s32 s3, s5;
	[dreg:$0x0] =	wrdreg $0x0  }
0xa8: {  	s5 =	sshll.u32 s28, $0x1;
	[dreg:$0x2] =	wrdreg s3  }
0xa9: {  	[dreg:$0x3] =	wrdreg s5  }
0xaa: {  	[dreg:$0x4] =	wrdreg $0xC0  }
0xab: {  	_ =	task [dreg:s7], $0x5FFFF  }
0xac: {  	[dreg:$0x1] =	wrdreg $0xFFFFFFFF  }
0xad: {  	[dreg:$0x0] =	wrdreg $0x60  }
0xae: {  	[dreg:$0x2] =	wrdreg s2  }
0xaf: {  	[dreg:$0x3] =	wrdreg s24  }
0xb0: {  	[dreg:$0x4] =	wrdreg $0x9  }
0xb1: {  	_ =	task.clear_ibuf [dreg:s7], $0x5FFFF;
	_ =	strace $0x90000046  }
0xb2: {  	s29 =	simm.s32 $0x9;
	_ =	strace $0x80000048  }
0xb3: {  	_ =	swait.ge [sflag:s29], $0x1  }
0xb4: {  	[sflag:s29] =	ssyncadd.s32 $0xFFFFFFFF  }
0xb5: {  	_ =	strace $0x90000048  }
0xb6: {  	_ =	sfence  }
0xb7: {  	s30 =	sld [smem:$0x0];
	_ =	sdelay $0x2  }
0xb8: {  	s31 =	sshll.u32 s1, $0xD;
	s1 =	sshrl.u32 s1, $0x2  }
0xb9: {  	s3 =	sand.u32 $0x4000, s31;
	s1 =	sadd.s32 s1, s30  }
0xba: {  	s0 =	sor.u32 s3, s0;
	s1 =	sshll.u32 s1, $0x11  }
0xbb: {  	s0 =	sor.u32 s1, s0  }
0xbc: {  	s0 =	sadd.s32 $0x8F2B, s0  }
0xbd: {  	[sflag:s0] =	ssyncadd.remote.s32 $0x1  }
0xbe: {  	_ =	sfence.sel $0xFFFF  }
0xbf: {  	[dreg:$0x0] =	wrdreg $0xFFFFFFFF;
	(pc) =	sbr.abs _section_cstart, $3  }
0xc0: {  	[dreg:$0x1] =	wrdreg $0xFFFFFFFF  }
0xc1: {  	_ =	task.clear_ibuf [dreg:s7], $0x2FFFF;
	_ =	strace $0x9FFFFFFF  }
0xc2: {  	(tm) =	ssettm $0x7FFFFFFF  }
0xc3: {  	_ =	shalt  }
tec
execute0_lowered:
.L_overlay_start_1:
0x0: {  	(tag) =	ssettag $0x1  }
0x1: {  	s0 =	stileid.u32  }
0x2: {  	s1 =	srdreg.scid;
	s5 =	rddreg [dreg:$0x1];
	s3 =	simm.s32 $0x0  }
0x3: {  	s12 =	simm.s32 $0x1;
	s13 =	simm.s32 $0x9C40;
	s2 =	sshll.u32 s0, $0x1  }
0x4: {  	s4 =	sand.u32 $0x1, s1;
	s14 =	sshrl.u32 s0, $0x1;
	[smem:$0x7FF] =	sst s3  }
0x5: {  	s10 =	sadd.s32 $0x2A00, s5;
	p0 =	sgt.u32 s0, $0xD;
	s8 =	smul.u32 $0x9D0, s14  }
0x6: {  	s25 =	sand.u32 $0x2, s2;
	s2 =	rddreg [dreg:$0x0];
	s11 =	smul.u32 $0x2740, s14  }
0x7: {  	p1 =	sne.s32 s14, $0x7;
	s14 =	simm.s32 $0x0;
	s1 =	sor.u32 s4, s25  }
0x8: {  	s4 =	ssub.s32 $0x2, s4;
	s6 =	smul.u32 $0x4E20, s1;
	s1 =	rddreg [dreg:$0x2]  }
0x9: {  	_ =	strace $0x80000047;
	s26 =	sshrl.u32 s4, $0x1;
	s31 =	sshrl.u32 s11, $0x2  }
.Ltmp0:
0xa: {  	s11 =	simm.s32 $0x2;
	s28 =	ssub.s32 s4, s26;
	(pc) =	sbr.rel .LBB2_1-.Ltmp0, $4  }
0xb: {  	s7 =	sshrl.u32 s6, $0x3;
	s6 =	sadd.s32 s8, s6;
	s8 =	sadd.s32 $0x40, s31  }
0xc: {  	s9 =	sadd.s32 s7, s5;
	s29 =	sshrl.u32 s6, $0x3;
	s30 =	sadd.s32 s10, s7  }
0xd: {  	s7 =	smax.u32 s28, $0x1;
	s4 =	sadd.s32 $0x200, s9;
	s5 =	sadd.s32 s10, s29  }
0xe: {  	s6 =	sadd.s32 $0x896, s30;
	s9 =	sadd.s32 $0x980, s31;
	s10 =	simm.s32 $0x4E20  }
.LBB2_13:
0xf: {  	s14 =	sadd.s32 $0x1, s14  }
0x10: {  	p2 =	sne.s32 s14, s7  }
.Ltmp1:
0x11: {  	_ = 	snop;
	(pc) =	sbr.rel @!p2 .LBB2_14-.Ltmp1, $1  }
0x12: {  	_ =	sdelay $0x3  }
.LBB2_1:
0x13: {  	[tilespmem:s10], [sflag:$0x1] =	stream.linear.gather [hbm4b:s4+s3], $0x4E20, $0x38;
	[tilespmem:$0xA610] =	vst v63  }
0x14: {  	_ = 	snop  }
0x15: {  	[tilespmem:s3], [sflag:$0x2] =	stream.linear.gather [hbm4b:s2+s3], $0x4E20, $0x38;
	[tilespmem:$0xA610] =	vst v63  }
0x16: {  	_ =	swait.ge [sflag:s11], $0x4E20  }
.Ltmp2:
0x17: {  	[sflag:s11] =	ssyncset.done $0x0;
	(pc) =	sbr.rel @p0 .LBB2_7-.Ltmp2, $4  }
0x18: {  	[sflag:s11] =	ssyncadd.s32 $0xFFFFB1E0  }
0x19: {  	_ =	swait.ge [sflag:s12], $0x4E20  }
0x1a: {  	[sflag:s12] =	ssyncset.done $0x0  }
0x1b: {  	[sflag:s12] =	ssyncadd.s32 $0xFFFFB1E0  }
0x1c: {  	v0 =	vld [tilespmem:s8+$0x30]  }
0x1d: {  	v1 =	vld [tilespmem:s8+$0xFFFFFFD0]  }
0x1e: {  	v2 =	vld [tilespmem:s8+$0xFFFFFFE0]  }
0x1f: {  	v3 =	vld [tilespmem:s8+$0xFFFFFFF0]  }
0x20: {  	v4 =	vld [tilespmem:s8+$0x0]  }
0x21: {  	v5 =	vld [tilespmem:s8+$0x10]  }
0x22: {  	v6 =	vld [tilespmem:s8+$0x20]  }
0x23: {  	v7 =	vld [tilespmem:s8+$0xFFFFFFC0]  }
0x24: {  	v0 =	vld.idx.msk [tilespmem:v0+s3+$0x0], $0xffff  }
0x25: {  	v1 =	vld.idx.msk [tilespmem:v1+s3+$0x0], $0xffff  }
0x26: {  	v2 =	vld.idx.msk [tilespmem:v2+s3+$0x0], $0xffff  }
0x27: {  	v3 =	vld.idx.msk [tilespmem:v3+s3+$0x0], $0xffff  }
0x28: {  	v8 =	vld.idx.msk [tilespmem:v4+s3+$0x0], $0xffff  }
0x29: {  	v5 =	vld.idx.msk [tilespmem:v5+s3+$0x0], $0xffff  }
0x2a: {  	v6 =	vld.idx.msk [tilespmem:v6+s3+$0x0], $0xffff  }
0x2b: {  	v7 =	vld.idx.msk [tilespmem:v7+s3+$0x0], $0xffff  }
0x2c: {  	v9 =	vld.idx.msk [tilespmem:v0+s10+$0x0], $0xffff  }
0x2d: {  	v10 =	vld.idx.msk [tilespmem:v1+s10+$0x0], $0xffff  }
0x2e: {  	v4 =	vld.idx.msk [tilespmem:v2+s10+$0x0], $0xffff  }
0x2f: {  	v2 =	vld.idx.msk [tilespmem:v3+s10+$0x0], $0xffff  }
0x30: {  	v0 =	vld.idx.msk [tilespmem:v8+s10+$0x0], $0xffff  }
0x31: {  	s17 =	simm.s32 $0x9C80;
	v1 =	vld.idx.msk [tilespmem:v5+s10+$0x0], $0xffff  }
0x32: {  	s18 =	simm.s32 $0x0;
	v3 =	vld.idx.msk [tilespmem:v6+s10+$0x0], $0xffff;
	[tilespmem:s17+$0x30] =	vst v9  }
0x33: {  	s15 =	simm.s32 $0x970;
	s16 =	simm.s32 $0xA5C0;
	s19 =	sadd.s32 $0x80, s8;
	v5 =	vld.idx.msk [tilespmem:v7+s10+$0x0], $0xffff;
	[tilespmem:s17+$0xFFFFFFD0] =	vst v10  }
.LBB2_3:
0x34: {  	v6 =	vld [tilespmem:s19+$0x30];
	s18 =	sadd.s32 $0x80, s18;
	[tilespmem:s17+$0xFFFFFFE0] =	vst v4  }
0x35: {  	v4 =	vld [tilespmem:s19+$0xFFFFFFD0];
	p2 =	slt.u32 s18, $0x900;
	[tilespmem:s17+$0xFFFFFFF0] =	vst v2  }
0x36: {  	v2 =	vld [tilespmem:s19+$0xFFFFFFE0];
	[tilespmem:s17+$0x0] =	vst v0  }
0x37: {  	v0 =	vld [tilespmem:s19+$0xFFFFFFF0];
	[tilespmem:s17+$0x10] =	vst v1  }
0x38: {  	v1 =	vld [tilespmem:s19+$0x0];
	[tilespmem:s17+$0x20] =	vst v3  }
0x39: {  	v3 =	vld [tilespmem:s19+$0x10];
	[tilespmem:s17+$0xFFFFFFC0] =	vst v5  }
0x3a: {  	v5 =	vld [tilespmem:s19+$0x20]  }
0x3b: {  	v7 =	vld [tilespmem:s19+$0xFFFFFFC0]  }
0x3c: {  	v6 =	vld.idx.msk [tilespmem:v6+s3+$0x0], $0xffff  }
0x3d: {  	v4 =	vld.idx.msk [tilespmem:v4+s3+$0x0], $0xffff  }
0x3e: {  	v2 =	vld.idx.msk [tilespmem:v2+s3+$0x0], $0xffff  }
0x3f: {  	v0 =	vld.idx.msk [tilespmem:v0+s3+$0x0], $0xffff  }
0x40: {  	v1 =	vld.idx.msk [tilespmem:v1+s3+$0x0], $0xffff  }
0x41: {  	v3 =	vld.idx.msk [tilespmem:v3+s3+$0x0], $0xffff  }
0x42: {  	v5 =	vld.idx.msk [tilespmem:v5+s3+$0x0], $0xffff  }
0x43: {  	v7 =	vld.idx.msk [tilespmem:v7+s3+$0x0], $0xffff  }
0x44: {  	v6 =	vld.idx.msk [tilespmem:v6+s10+$0x0], $0xffff  }
0x45: {  	v8 =	vld.idx.msk [tilespmem:v4+s10+$0x0], $0xffff  }
0x46: {  	v4 =	vld.idx.msk [tilespmem:v2+s10+$0x0], $0xffff  }
.Ltmp3:
0x47: {  	v2 =	vld.idx.msk [tilespmem:v0+s10+$0x0], $0xffff;
	(pc) =	sbr.rel @p2 .LBB2_3-.Ltmp3, $4  }
0x48: {  	v0 =	vld.idx.msk [tilespmem:v1+s10+$0x0], $0xffff  }
0x49: {  	s17 =	sadd.s32 $0x80, s17;
	v1 =	vld.idx.msk [tilespmem:v3+s10+$0x0], $0xffff  }
0x4a: {  	v3 =	vld.idx.msk [tilespmem:v5+s10+$0x0], $0xffff;
	[tilespmem:s17+$0x30] =	vst v6  }
0x4b: {  	s19 =	sadd.s32 $0x80, s19;
	v5 =	vld.idx.msk [tilespmem:v7+s10+$0x0], $0xffff;
	[tilespmem:s17+$0xFFFFFFD0] =	vst v8  }
0x4c: {  	[tilespmem:s17+$0xFFFFFFE0] =	vst v4  }
0x4d: {  	[tilespmem:s17+$0xFFFFFFF0] =	vst v2  }
0x4e: {  	[tilespmem:s17+$0x0] =	vst v0  }
0x4f: {  	[tilespmem:s17+$0x10] =	vst v1  }
0x50: {  	[tilespmem:s17+$0x20] =	vst v3  }
0x51: {  	[tilespmem:s17+$0xFFFFFFC0] =	vst v5;
	s17 =	smov.u32 s9  }
.LBB2_5:
0x52: {  	v0 =	vld [tilespmem:s17+$0x0];
	_ =	sdelay $0x7  }
0x53: {  	v0 =	vld.idx.msk [tilespmem:v0+s3+$0x0], $0xffff;
	_ =	sdelay $0x6  }
0x54: {  	s15 =	sadd.s32 $0x10, s15  }
0x55: {  	p2 =	slt.u32 s15, $0x9C0;
	v0 =	vld.idx.msk [tilespmem:v0+s10+$0x0], $0xffff  }
.Ltmp4:
0x56: {  	_ = 	snop;
	(pc) =	sbr.rel @p2 .LBB2_5-.Ltmp4, $2  }
0x57: {  	_ =	sdelay $0x2  }
0x58: {  	s17 =	sadd.s32 $0x10, s17;
	[tilespmem:s16+$0x0] =	vst v0;
	s16 =	sadd.s32 $0x10, s16  }
0x59: {  	[hbm4b:s5+s3] =	stream.linear.scatter [tilespmem:s13], [sflag:$0x2], $0x9D0, $0x38;
	[tilespmem:$0xA610] =	vst v63  }
0x5a: {  	_ =	swait.ge [sflag:s11], $0x9D0  }
0x5b: {  	[sflag:s11] =	ssyncset.done $0x0  }
0x5c: {  	[sflag:s11] =	ssyncadd.s32 $0xFFFFF630  }
.LBB2_7:
.Ltmp5:
0x5d: {  	(pc) =	sbr.rel @p1 .LBB2_13-.Ltmp5, $1  }
0x5e: {  	_ =	sdelay $0x3  }
0x5f: {  	s15 =	simm.s32 $0x0  }
0x60: {  	v0 =	vld [tilespmem:s15+$0x4520]  }
0x61: {  	v1 =	vld [tilespmem:s15+$0x44B0]  }
0x62: {  	v2 =	vld [tilespmem:s15+$0x44C0]  }
0x63: {  	v3 =	vld [tilespmem:s15+$0x44D0]  }
0x64: {  	v4 =	vld [tilespmem:s15+$0x44E0]  }
0x65: {  	v5 =	vld [tilespmem:s15+$0x44F0]  }
0x66: {  	v6 =	vld [tilespmem:s15+$0x4500]  }
0x67: {  	v7 =	vld [tilespmem:s15+$0x4510]  }
0x68: {  	v8 =	vld.idx.msk [tilespmem:v0+s3+$0x0], $0xffff  }
0x69: {  	v1 =	vld.idx.msk [tilespmem:v1+s3+$0x0], $0xffff  }
0x6a: {  	v2 =	vld.idx.msk [tilespmem:v2+s3+$0x0], $0xffff  }
0x6b: {  	v3 =	vld.idx.msk [tilespmem:v3+s3+$0x0], $0xffff  }
0x6c: {  	v9 =	vld.idx.msk [tilespmem:v4+s3+$0x0], $0xffff  }
0x6d: {  	v10 =	vld.idx.msk [tilespmem:v5+s3+$0x0], $0xffff  }
0x6e: {  	v11 =	vld.idx.msk [tilespmem:v6+s3+$0x0], $0xffff  }
0x6f: {  	v0 =	vld.idx.msk [tilespmem:v7+s3+$0x0], $0xffff  }
0x70: {  	v7 =	vld.idx.msk [tilespmem:v8+s10+$0x0], $0xffff  }
0x71: {  	v6 =	vld.idx.msk [tilespmem:v1+s10+$0x0], $0xffff  }
0x72: {  	v5 =	vld.idx.msk [tilespmem:v2+s10+$0x0], $0xffff  }
0x73: {  	v4 =	vld.idx.msk [tilespmem:v3+s10+$0x0], $0xffff  }
0x74: {  	v1 =	vld.idx.msk [tilespmem:v9+s10+$0x0], $0xffff  }
0x75: {  	s19 =	simm.s32 $0x0;
	s16 =	simm.s32 $0x4DB0;
	v2 =	vld.idx.msk [tilespmem:v10+s10+$0x0], $0xffff  }
0x76: {  	s20 =	simm.s32 $0x200;
	s17 =	simm.s32 $0x8F0;
	s18 =	simm.s32 $0xA540;
	v3 =	vld.idx.msk [tilespmem:v11+s10+$0x0], $0xffff;
	[tilespmem:s15+$0x9CB0] =	vst v7  }
.LBB2_9:
0x77: {  	s21 =	sshra.s32 s20, $0x2;
	s19 =	sadd.s32 $0x80, s19;
	[tilespmem:s15+$0x9C40] =	vst v6;
	v0 =	vld.idx.msk [tilespmem:v0+s10+$0x0], $0xffff  }
0x78: {  	v6 =	vld [tilespmem:s21+$0x4520];
	p2 =	slt.u32 s19, $0x880;
	[tilespmem:s15+$0x9C50] =	vst v5  }
0x79: {  	v5 =	vld [tilespmem:s21+$0x44B0];
	[tilespmem:s15+$0x9C60] =	vst v4  }
0x7a: {  	v4 =	vld [tilespmem:s21+$0x44C0];
	[tilespmem:s15+$0x9C70] =	vst v1  }
0x7b: {  	v1 =	vld [tilespmem:s21+$0x44D0];
	[tilespmem:s15+$0x9C80] =	vst v2  }
0x7c: {  	v2 =	vld [tilespmem:s21+$0x44E0];
	[tilespmem:s15+$0x9C90] =	vst v3  }
0x7d: {  	v3 =	vld [tilespmem:s21+$0x44F0];
	[tilespmem:s15+$0x9CA0] =	vst v0;
	s15 =	smov.u32 s21  }
0x7e: {  	v0 =	vld [tilespmem:s15+$0x4500]  }
0x7f: {  	v7 =	vld [tilespmem:s15+$0x4510]  }
0x80: {  	v6 =	vld.idx.msk [tilespmem:v6+s3+$0x0], $0xffff  }
0x81: {  	v5 =	vld.idx.msk [tilespmem:v5+s3+$0x0], $0xffff  }
0x82: {  	v4 =	vld.idx.msk [tilespmem:v4+s3+$0x0], $0xffff  }
0x83: {  	v1 =	vld.idx.msk [tilespmem:v1+s3+$0x0], $0xffff  }
0x84: {  	v2 =	vld.idx.msk [tilespmem:v2+s3+$0x0], $0xffff  }
0x85: {  	v3 =	vld.idx.msk [tilespmem:v3+s3+$0x0], $0xffff  }
0x86: {  	v8 =	vld.idx.msk [tilespmem:v0+s3+$0x0], $0xffff  }
0x87: {  	v0 =	vld.idx.msk [tilespmem:v7+s3+$0x0], $0xffff  }
0x88: {  	v7 =	vld.idx.msk [tilespmem:v6+s10+$0x0], $0xffff  }
0x89: {  	v6 =	vld.idx.msk [tilespmem:v5+s10+$0x0], $0xffff  }
.Ltmp6:
0x8a: {  	v5 =	vld.idx.msk [tilespmem:v4+s10+$0x0], $0xffff;
	(pc) =	sbr.rel @p2 .LBB2_9-.Ltmp6, $4  }
0x8b: {  	v4 =	vld.idx.msk [tilespmem:v1+s10+$0x0], $0xffff  }
0x8c: {  	v1 =	vld.idx.msk [tilespmem:v2+s10+$0x0], $0xffff  }
0x8d: {  	v2 =	vld.idx.msk [tilespmem:v3+s10+$0x0], $0xffff  }
0x8e: {  	s20 =	sadd.s32 $0x200, s20;
	v3 =	vld.idx.msk [tilespmem:v8+s10+$0x0], $0xffff;
	[tilespmem:s15+$0x9CB0] =	vst v7  }
0x8f: {  	_ =	sdelay $0x2  }
0x90: {  	[tilespmem:s15+$0x9C40] =	vst v6  }
0x91: {  	v0 =	vld.idx.msk [tilespmem:v0+s10+$0x0], $0xffff;
	[tilespmem:s15+$0x9C50] =	vst v5  }
0x92: {  	[tilespmem:s15+$0x9C60] =	vst v4  }
0x93: {  	[tilespmem:s15+$0x9C70] =	vst v1  }
0x94: {  	[tilespmem:s15+$0x9C80] =	vst v2  }
0x95: {  	[tilespmem:s15+$0x9C90] =	vst v3  }
0x96: {  	[tilespmem:s15+$0x9CA0] =	vst v0  }
.LBB2_11:
0x97: {  	v0 =	vld [tilespmem:s16+$0x0];
	_ =	sdelay $0x7  }
0x98: {  	v0 =	vld.idx.msk [tilespmem:v0+s3+$0x0], $0xffff;
	_ =	sdelay $0x6  }
0x99: {  	s17 =	sadd.s32 $0x10, s17  }
0x9a: {  	p2 =	slt.u32 s17, $0x960;
	v0 =	vld.idx.msk [tilespmem:v0+s10+$0x0], $0xffff  }
.Ltmp7:
0x9b: {  	_ = 	snop;
	(pc) =	sbr.rel @p2 .LBB2_11-.Ltmp7, $2  }
0x9c: {  	_ =	sdelay $0x2  }
0x9d: {  	s16 =	sadd.s32 $0x10, s16;
	[tilespmem:s18+$0x0] =	vst v0;
	s18 =	sadd.s32 $0x10, s18  }
.Ltmp8:
0x9e: {  	(pc) =	sbr.rel .LBB2_13-.Ltmp8, $4  }
0x9f: {  	[hbm4b:s6+s3] =	stream.linear.scatter [tilespmem:s13], [sflag:$0x2], $0x970, $0x38;
	[tilespmem:$0xA610] =	vst v63  }
0xa0: {  	_ =	swait.ge [sflag:s11], $0x970  }
0xa1: {  	[sflag:s11] =	ssyncset.done $0x0  }
0xa2: {  	[sflag:s11] =	ssyncadd.s32 $0xFFFFF690  }
.LBB2_14:
0xa3: {  	_ =	sfence.sel $0x180000  }
0xa4: {  	[bflag:$0x0] =	sbarrier.arrive $0xFFFF  }
0xa5: {  	p0 =	sne.s32 s0, $0x0;
	_ =	strace $0x90000047  }
0xa6: {  	s0 =	sadd.s32 @!p0 $0x100000, s1;
	[bflag:$0x2] =	sbarrier.arrive $0xFFFF  }
0xa7: {  	[sflag:s0] =	ssyncadd.tile.s32 @!p0 $0x1;
	_ =	shalt  }
.Lfunc_end2:
_tile_overlayer_lowered:
.L_overlay_start_2:
0xa8: {  	(tag) =	ssettag $0x2  }
0xa9: {  	s0 =	rddreg [dreg:$0x0];
	s2 =	stileid.u32  }
0xaa: {  	s1 =	rddreg [dreg:$0x1];
	p0 =	sne.s32 s2, $0x0  }
0xab: {  	s3 =	rddreg [dreg:$0x2];
	[bflag:$0x3] =	sbarrier.arrive $0xFFFF;
	s2 =	simm.s32 @!p0 $0x1C02  }
0xac: {  	[timem:s3], [sflag:s2] =	dma.local @!p0 [hbm:s0], s1  }
0xad: {  	s0 =	simm.s32 @!p0 $0x2  }
0xae: {  	_ =	swait.ge @!p0 [sflag:s0], s1  }
0xaf: {  	s1 =	ssub.s32 @!p0 $0x0, s1;
	[sflag:s0] =	ssyncset.done @!p0 $0x0  }
0xb0: {  	[sflag:s0] =	ssyncadd.s32 @!p0 s1  }
0xb1: {  	[bflag:$0x3] =	sbarrier.arrive $0xFFFF  }
0xb2: {  	_ =	shalt  }

</sc_bundles>
